<compile_context>
chip_gen: v7x
topology: tpu7x:2x2x1
jax: 0.10.2.dev20260603
libtpu: 0.0.44.dev20260713+nightly
codegen_flags: <defaults>
</compile_context>

<pallas_src>
import functools

import jax
import jax.numpy as jnp
from jax import lax
from jax.experimental import pallas as pl
from jax.experimental.pallas import tpu as pltpu
from jax.experimental.pallas import tpu_sc as plsc

D_VOCAB = 100000
D_MODEL = 768
NTOK = 4 * 2048

_NC = 2
_NS = 16
_NW = _NC * _NS
_B_PER_W = NTOK // _NW
_CHUNK = 128
_NCHUNK = _B_PER_W // _CHUNK

_mesh = plsc.VectorSubcoreMesh(core_axis_name="c", subcore_axis_name="s")


@functools.partial(
    pl.kernel,
    mesh=_mesh,
    compiler_params=pltpu.CompilerParams(needs_layout_passes=False),
    out_type=jax.ShapeDtypeStruct((NTOK, D_MODEL), jnp.float32),
    scratch_types=[
        pltpu.VMEM((_NCHUNK, _CHUNK), jnp.int32),
        pltpu.VMEM((_CHUNK, D_MODEL), jnp.float32),
        pltpu.SemaphoreType.DMA,
        pltpu.SemaphoreType.DMA,
        pltpu.SemaphoreType.DMA,
    ],
)
def _sc_gather(x_hbm, wt_hbm, out_hbm, idx_v, rows_v, isem, gsem, wsem):
    wid = lax.axis_index("s") * _NC + lax.axis_index("c")
    base = wid * _B_PER_W

    icopies = [
        pltpu.async_copy(x_hbm.at[pl.ds(base + j * _CHUNK, _CHUNK)],
                         idx_v.at[j], isem)
        for j in range(_NCHUNK)
    ]
    for c in icopies:
        c.wait()

    def window(j, carry):
        pltpu.async_copy(wt_hbm.at[idx_v.at[j]], rows_v, gsem).wait()
        pltpu.sync_copy(rows_v, out_hbm.at[pl.ds(base + j * _CHUNK, _CHUNK)])
        return carry

    lax.fori_loop(0, _NCHUNK, window, 0)


def kernel(x, W_E):
    b, p = x.shape
    xf = x.reshape(-1)
    out = _sc_gather(xf, W_E.T)
    return out.reshape(b, p, D_MODEL)

# --- scband reference (transcript-rebuilt; emitter-appended) ---
"""Pipeline reference for scband-embed-163208757294 (READ-ONLY COPY).

The authoritative reference and input builder live on the scoring server;
editing this copy changes nothing except your own understanding.
"""

import jax, jax.numpy as jnp
import numpy as np

D_VOCAB = 100000
D_MODEL = 768
BATCH = 4
SEQ = 2048

def setup_inputs(seed: int = 0) -> dict:
    key = jax.random.key(seed)
    k1, k2 = jax.random.split(key)
    x = jax.random.randint(k1, (BATCH, SEQ), 0, D_VOCAB, dtype=jnp.int64 if jax.config.read('jax_enable_x64') else jnp.int32)
    W_E = jax.random.normal(k2, (D_MODEL, D_VOCAB), dtype=jnp.float32) / np.sqrt(D_MODEL)
    return {"x": x, "W_E": W_E}

def reference(x, W_E):
    # torch: einsum('dbp -> bpd', W_E[:, x])
    # W_E[:, x] has shape [d_model, batch, pos]; permute to [batch, pos, d_model]
    gathered = jnp.take(W_E, x, axis=1)  # [d, b, p]
    return jnp.transpose(gathered, (1, 2, 0))  # [b, p, d]

if __name__ == "__main__":
    import jax
    _d = setup_inputs()
    print(jax.jit(kernel)(*tuple(_d.values())))

</pallas_src>

<mosaic_0001>
#map = affine_map<(d0, d1) -> (0)>
#map1 = affine_map<(d0, d1) -> (0, 0)>
module attributes {stable_mosaic.version = 14 : i64} {
  func.func @_sc_gather(%arg0: i32, %arg1: i32, %arg2: memref<8192xi32, #tpu.memory_space<hbm>>, %arg3: memref<100000x768xf32, #tpu.memory_space<hbm>>, %arg4: memref<8192x768xf32, #tpu.memory_space<hbm>>, %arg5: memref<2x128xi32, #tpu.memory_space<vmem>>, %arg6: memref<128x768xf32, #tpu.memory_space<vmem>>, %arg7: memref<!tpu.dma_semaphore, #tpu.memory_space<semaphore_mem>>, %arg8: memref<!tpu.dma_semaphore, #tpu.memory_space<semaphore_mem>>, %arg9: memref<!tpu.dma_semaphore, #tpu.memory_space<semaphore_mem>>) attributes {dimension_semantics = [#tpu.dimension_semantics<core_parallel>, #tpu.dimension_semantics<subcore_parallel>], iteration_bounds = array<i64: 2, 16>, scalar_prefetch = 0 : i64, scratch_operands = 5 : i64, tpu.core_type = #tpu.core_type<sc_vector_subcore>, window_params = [{transform_indices = #map}, {transform_indices = #map1}, {transform_indices = #map1}]} {
    %mul3A = arith.constant 2 : i32
    %mul3A_0 = arith.muli %arg1, %mul3A : i32
    %add3A = arith.addi %mul3A_0, %arg0 : i32
    %mul3A_1 = arith.constant 256 : i32
    %mul3A_2 = arith.muli %add3A, %mul3A_1 : i32
    %add3A_3 = arith.constant 0 : i32
    %add3A_4 = arith.addi %mul3A_2, %add3A_3 : i32
    %dma_start3A = arith.constant 0 : i32
    %dma_start3A_5 = arith.constant 0 : i32
    %dma_start3A_6 = tpu.memref_slice %arg5[%dma_start3A, %dma_start3A_5] : memref<2x128xi32, #tpu.memory_space<vmem>> -> memref<1x128xi32, #tpu.memory_space<vmem>>
    %dma_start3A_7 = tpu.memref_squeeze %dma_start3A_6 : memref<1x128xi32, #tpu.memory_space<vmem>> -> memref<128xi32, #tpu.memory_space<vmem>>
    %dma_start3A_8 = tpu.memref_slice %arg2[%add3A_4] : memref<8192xi32, #tpu.memory_space<hbm>> -> memref<128xi32, #tpu.memory_space<hbm>>
    %dma_start3A_9 = arith.constant 0 : i32
    %dma_start3A_10 = tpu.memref_slice %arg5[%dma_start3A, %dma_start3A_9] : memref<2x128xi32, #tpu.memory_space<vmem>> -> memref<1x128xi32, #tpu.memory_space<vmem>>
    %dma_start3A_11 = tpu.memref_squeeze %dma_start3A_10 : memref<1x128xi32, #tpu.memory_space<vmem>> -> memref<128xi32, #tpu.memory_space<vmem>>
    %dma_start3A_12 = tpu.memref_slice %arg2[%add3A_4] : memref<8192xi32, #tpu.memory_space<hbm>> -> memref<128xi32, #tpu.memory_space<hbm>>
    tpu.enqueue_dma source(%dma_start3A_12 : memref<128xi32, #tpu.memory_space<hbm>>) target(%dma_start3A_11 : memref<128xi32, #tpu.memory_space<vmem>>) target_semaphore(%arg7 : memref<!tpu.dma_semaphore, #tpu.memory_space<semaphore_mem>>)
    %add3A_13 = arith.constant 128 : i32
    %add3A_14 = arith.addi %mul3A_2, %add3A_13 : i32
    %dma_start3A_15 = arith.constant 1 : i32
    %dma_start3A_16 = arith.constant 0 : i32
    %dma_start3A_17 = tpu.memref_slice %arg5[%dma_start3A_15, %dma_start3A_16] : memref<2x128xi32, #tpu.memory_space<vmem>> -> memref<1x128xi32, #tpu.memory_space<vmem>>
    %dma_start3A_18 = tpu.memref_squeeze %dma_start3A_17 : memref<1x128xi32, #tpu.memory_space<vmem>> -> memref<128xi32, #tpu.memory_space<vmem>>
    %dma_start3A_19 = tpu.memref_slice %arg2[%add3A_14] : memref<8192xi32, #tpu.memory_space<hbm>> -> memref<128xi32, #tpu.memory_space<hbm>>
    %dma_start3A_20 = arith.constant 0 : i32
    %dma_start3A_21 = tpu.memref_slice %arg5[%dma_start3A_15, %dma_start3A_20] : memref<2x128xi32, #tpu.memory_space<vmem>> -> memref<1x128xi32, #tpu.memory_space<vmem>>
    %dma_start3A_22 = tpu.memref_squeeze %dma_start3A_21 : memref<1x128xi32, #tpu.memory_space<vmem>> -> memref<128xi32, #tpu.memory_space<vmem>>
    %dma_start3A_23 = tpu.memref_slice %arg2[%add3A_14] : memref<8192xi32, #tpu.memory_space<hbm>> -> memref<128xi32, #tpu.memory_space<hbm>>
    tpu.enqueue_dma source(%dma_start3A_23 : memref<128xi32, #tpu.memory_space<hbm>>) target(%dma_start3A_22 : memref<128xi32, #tpu.memory_space<vmem>>) target_semaphore(%arg7 : memref<!tpu.dma_semaphore, #tpu.memory_space<semaphore_mem>>)
    %dma_wait3A = arith.constant 0 : i32
    %dma_wait3A_24 = arith.constant 0 : i32
    %dma_wait3A_25 = tpu.memref_slice %arg5[%dma_wait3A, %dma_wait3A_24] : memref<2x128xi32, #tpu.memory_space<vmem>> -> memref<1x128xi32, #tpu.memory_space<vmem>>
    %dma_wait3A_26 = tpu.memref_squeeze %dma_wait3A_25 : memref<1x128xi32, #tpu.memory_space<vmem>> -> memref<128xi32, #tpu.memory_space<vmem>>
    %dma_wait3A_27 = tpu.memref_slice %arg2[%add3A_4] : memref<8192xi32, #tpu.memory_space<hbm>> -> memref<128xi32, #tpu.memory_space<hbm>>
    %dma_wait3A_28 = arith.constant 0 : i32
    %dma_wait3A_29 = tpu.memref_slice %arg5[%dma_wait3A, %dma_wait3A_28] : memref<2x128xi32, #tpu.memory_space<vmem>> -> memref<1x128xi32, #tpu.memory_space<vmem>>
    %dma_wait3A_30 = tpu.memref_squeeze %dma_wait3A_29 : memref<1x128xi32, #tpu.memory_space<vmem>> -> memref<128xi32, #tpu.memory_space<vmem>>
    %dma_wait3A_31 = tpu.memref_slice %arg2[%add3A_4] : memref<8192xi32, #tpu.memory_space<hbm>> -> memref<128xi32, #tpu.memory_space<hbm>>
    tpu.wait_dma2 semaphore(%arg7 : memref<!tpu.dma_semaphore, #tpu.memory_space<semaphore_mem>>) src(%dma_wait3A_31 : memref<128xi32, #tpu.memory_space<hbm>>) dst(%dma_wait3A_30 : memref<128xi32, #tpu.memory_space<vmem>>)
    %dma_wait3A_32 = arith.constant 1 : i32
    %dma_wait3A_33 = arith.constant 0 : i32
    %dma_wait3A_34 = tpu.memref_slice %arg5[%dma_wait3A_32, %dma_wait3A_33] : memref<2x128xi32, #tpu.memory_space<vmem>> -> memref<1x128xi32, #tpu.memory_space<vmem>>
    %dma_wait3A_35 = tpu.memref_squeeze %dma_wait3A_34 : memref<1x128xi32, #tpu.memory_space<vmem>> -> memref<128xi32, #tpu.memory_space<vmem>>
    %dma_wait3A_36 = tpu.memref_slice %arg2[%add3A_14] : memref<8192xi32, #tpu.memory_space<hbm>> -> memref<128xi32, #tpu.memory_space<hbm>>
    %dma_wait3A_37 = arith.constant 0 : i32
    %dma_wait3A_38 = tpu.memref_slice %arg5[%dma_wait3A_32, %dma_wait3A_37] : memref<2x128xi32, #tpu.memory_space<vmem>> -> memref<1x128xi32, #tpu.memory_space<vmem>>
    %dma_wait3A_39 = tpu.memref_squeeze %dma_wait3A_38 : memref<1x128xi32, #tpu.memory_space<vmem>> -> memref<128xi32, #tpu.memory_space<vmem>>
    %dma_wait3A_40 = tpu.memref_slice %arg2[%add3A_14] : memref<8192xi32, #tpu.memory_space<hbm>> -> memref<128xi32, #tpu.memory_space<hbm>>
    tpu.wait_dma2 semaphore(%arg7 : memref<!tpu.dma_semaphore, #tpu.memory_space<semaphore_mem>>) src(%dma_wait3A_40 : memref<128xi32, #tpu.memory_space<hbm>>) dst(%dma_wait3A_39 : memref<128xi32, #tpu.memory_space<vmem>>)
    %scan3A = arith.constant 0 : i32
    %scan3A_41 = arith.constant 0 : i32
    %scan3A_42 = arith.constant 2 : i32
    %scan3A_43 = arith.addi %scan3A_41, %scan3A_42 : i32
    %scan3A_44 = arith.constant 1 : i32
    scf.for %scan3A_46 = %scan3A_41 to %scan3A_43 step %scan3A_44  : i32 {
      %dma_start3A_47 = arith.constant 0 : i32
      %dma_start3A_48 = tpu.memref_slice %arg5[%scan3A_46, %dma_start3A_47] : memref<2x128xi32, #tpu.memory_space<vmem>> -> memref<1x128xi32, #tpu.memory_space<vmem>>
      %dma_start3A_49 = tpu.memref_squeeze %dma_start3A_48 : memref<1x128xi32, #tpu.memory_space<vmem>> -> memref<128xi32, #tpu.memory_space<vmem>>
      %dma_start3A_50 = arith.constant 0 : i32
      %dma_start3A_51 = arith.constant 0 : i32
      %dma_start3A_52 = tpu.memref_slice %arg3[%dma_start3A_50, %dma_start3A_51] : memref<100000x768xf32, #tpu.memory_space<hbm>> -> memref<100000x768xf32, #tpu.memory_space<hbm>>
      tpu.enqueue_indirect_dma source(%dma_start3A_52 : memref<100000x768xf32, #tpu.memory_space<hbm>>) target(%arg6 : memref<128x768xf32, #tpu.memory_space<vmem>>) offsets(%dma_start3A_49 : memref<128xi32, #tpu.memory_space<vmem>>) semaphore(%arg8 : memref<!tpu.dma_semaphore, #tpu.memory_space<semaphore_mem>>)
      %dma_wait3A_53 = arith.constant 0 : i32
      %dma_wait3A_54 = tpu.memref_slice %arg5[%scan3A_46, %dma_wait3A_53] : memref<2x128xi32, #tpu.memory_space<vmem>> -> memref<1x128xi32, #tpu.memory_space<vmem>>
      %dma_wait3A_55 = tpu.memref_squeeze %dma_wait3A_54 : memref<1x128xi32, #tpu.memory_space<vmem>> -> memref<128xi32, #tpu.memory_space<vmem>>
      %dma_wait3A_56 = arith.constant 0 : i32
      %dma_wait3A_57 = arith.constant 0 : i32
      %dma_wait3A_58 = tpu.memref_slice %arg3[%dma_wait3A_56, %dma_wait3A_57] : memref<100000x768xf32, #tpu.memory_space<hbm>> -> memref<100000x768xf32, #tpu.memory_space<hbm>>
      tpu.wait_indirect_dma semaphore(%arg8 : memref<!tpu.dma_semaphore, #tpu.memory_space<semaphore_mem>>) src(%dma_wait3A_58 : memref<100000x768xf32, #tpu.memory_space<hbm>>) dst(%arg6 : memref<128x768xf32, #tpu.memory_space<vmem>>)
      %mul3A_59 = arith.constant 128 : i32
      %mul3A_60 = arith.muli %scan3A_46, %mul3A_59 : i32
      %add3A_61 = arith.addi %mul3A_2, %mul3A_60 : i32
      "tpu.region"() ({
        %run_scoped3A = tpu.sem_alloc : memref<!tpu.dma_semaphore, #tpu.memory_space<semaphore_mem>>
        %dma_start3A_62 = arith.constant 0 : i32
        %dma_start3A_63 = tpu.memref_slice %arg4[%add3A_61, %dma_start3A_62] : memref<8192x768xf32, #tpu.memory_space<hbm>> -> memref<128x768xf32, #tpu.memory_space<hbm>>
        %dma_start3A_64 = arith.constant 0 : i32
        %dma_start3A_65 = tpu.memref_slice %arg4[%add3A_61, %dma_start3A_64] : memref<8192x768xf32, #tpu.memory_space<hbm>> -> memref<128x768xf32, #tpu.memory_space<hbm>>
        tpu.enqueue_dma source(%arg6 : memref<128x768xf32, #tpu.memory_space<vmem>>) target(%dma_start3A_65 : memref<128x768xf32, #tpu.memory_space<hbm>>) target_semaphore(%run_scoped3A : memref<!tpu.dma_semaphore, #tpu.memory_space<semaphore_mem>>)
        %dma_wait3A_66 = arith.constant 0 : i32
        %dma_wait3A_67 = tpu.memref_slice %arg4[%add3A_61, %dma_wait3A_66] : memref<8192x768xf32, #tpu.memory_space<hbm>> -> memref<128x768xf32, #tpu.memory_space<hbm>>
        %dma_wait3A_68 = arith.constant 0 : i32
        %dma_wait3A_69 = tpu.memref_slice %arg4[%add3A_61, %dma_wait3A_68] : memref<8192x768xf32, #tpu.memory_space<hbm>> -> memref<128x768xf32, #tpu.memory_space<hbm>>
        tpu.wait_dma2 semaphore(%run_scoped3A : memref<!tpu.dma_semaphore, #tpu.memory_space<semaphore_mem>>) src(%arg6 : memref<128x768xf32, #tpu.memory_space<vmem>>) dst(%dma_wait3A_69 : memref<128x768xf32, #tpu.memory_space<hbm>>)
        tpu.yield
      }) : () -> ()
    }
    %scan3A_45 = arith.constant 2 : i32
    return
  }
}

</mosaic_0001>

<sc_bundles>
// kernel: kernel.3.cloned.1.call-start
scs
__scs_entry_jumppad:
0x0: {  	(pc) =	sbr.rel $0x88, $3  }
0x1: {  	(tag) =	ssettag $0x0;
	lr =	simm.s32 $0x1  }
0x2: {  	[smem:$0x3F9F] =	sst lr;
	_ =	strace $0xD0000000  }
0x3: {  	_ = 	snop  }
0x4: {  	_ = 	snop  }
0x5: {  	_ = 	snop  }
0x6: {  	_ = 	snop  }
0x7: {  	_ = 	snop  }
__scs_overlays_trampoline_lowered:
0x8: {  	[smem:$0x3FAE] =	sst s0  }
0x9: {  	[smem:$0x3FAF] =	sst s1  }
0xa: {  	[smem:$0x3FB0] =	sst s2  }
0xb: {  	[smem:$0x3FB1] =	sst s3  }
0xc: {  	[smem:$0x3FB2] =	sst s4  }
0xd: {  	[smem:$0x3FB3] =	sst s5  }
0xe: {  	[smem:$0x3FB4] =	sst s6  }
0xf: {  	[smem:$0x3FB5] =	sst s7  }
0x10: {  	[smem:$0x3FB6] =	sst s8  }
0x11: {  	[smem:$0x3FB7] =	sst s9;
	s0 =	simm.s32 @!p0 $0x0  }
0x12: {  	s1 =	sld [smem:$0x3F9D];
	s0 =	simm.s32 @p0 $0x1  }
0x13: {  	[smem:$0x3FB8] =	sst s0;
	s0 =	simm.s32 @!p1 $0x0  }
0x14: {  	s2 =	sld [smem:$0x3F9C];
	s0 =	simm.s32 @p1 $0x1  }
0x15: {  	[smem:$0x3FB9] =	sst s0;
	s0 =	simm.s32 @!p2 $0x0  }
0x16: {  	s3 =	sld [smem:$0x3FDB];
	s0 =	simm.s32 @p2 $0x1  }
0x17: {  	s4 =	simm.s32 $0x1BF5;
	[smem:$0x3FBB] =	sst s0  }
0x18: {  	s0 =	sld [smem:$0x3F9E];
	_ =	swait.ge [sflag:s4], $0x0  }
0x19: {  	s7 =	sld [smem:$0x3F9F]  }
0x1a: {  	s8 =	sadd.s32 $0xFFFFE003, lr  }
0x1b: {  	s9 =	sadd.s32 $0xFFFFFEF7, lr;
	s5 =	simm.s32 $0xFFFFFFFF;
	p2 =	slt.u32 s8, $0xFFFFF086  }
0x1c: {  	p1 =	slt.u32 s9, $0xF7A;
	s5 =	simm.s32 @!p2 $0x0  }
0x1d: {  	s5 =	simm.s32 @p1 $0x1;
	p0 =	seq.s32 s7, s2  }
0x1e: {  	s7 =	smul.u32 @!p0 $0xF7A, s2;
	p2 =	seq.s32 @!p0 s5, $0x0  }
0x1f: {  	s9 =	smul.u32 $0xF7A, s1;
	s8 =	simm.s32 @!p0 $0x1BF5;
	p2 =	por !p2, p0  }
0x20: {  	[sflag:s8] =	ssyncset.s32 @!p0 $0xFFFFF086;
	s6 =	sadd.s32 @!p0 s3, s7;
	s7 =	simm.s32 @!p0 $0x108  }
0x21: {  	s3 =	sadd.s32 s3, s9;
	s6 =	sadd.s32 @!p0 $0x88, s6;
	s7 =	simm.s32 @p2 $0x1082  }
0x22: {  	[simem:s7], [sflag:s8] =	dma.local @!p0 [hbm:s6], $0xF7A  }
0x23: {  	s9 =	sor.u32 $0xD0000000, s2;
	s6 =	simm.s32 $0x108;
	_ =	swait.ge @!p0 [sflag:s8], $0x0  }
0x24: {  	s3 =	sadd.s32 $0x88, s3;
	s6 =	simm.s32 @!p1 $0x1082;
	[sflag:s4] =	ssyncset.s32 $0xFFFFF086  }
0x25: {  	[simem:s6], [sflag:s4] =	dma.local [hbm:s3], $0xF7A  }
0x26: {  	[smem:$0x3F9F] =	sst s1;
	(tag) =	ssettag s2;
	_ =	strace s9  }
0x27: {  	s1 =	sld [smem:$0x3FAF]  }
0x28: {  	s2 =	sld [smem:$0x3FB0]  }
0x29: {  	s4 =	sld [smem:$0x3FB2]  }
0x2a: {  	p0 =	seq.s32 s5, $0x0;
	s5 =	sld [smem:$0x3FB3]  }
0x2b: {  	s6 =	sld [smem:$0x3FB4]  }
0x2c: {  	s7 =	sld [smem:$0x3FB5]  }
0x2d: {  	s3 =	simm.s32 $0x108;
	s8 =	sld [smem:$0x3FB6]  }
0x2e: {  	s3 =	simm.s32 @!p0 $0x1082;
	s9 =	sld [smem:$0x3FB7]  }
0x2f: {  	lr =	sadd.s32 s0, s3;
	s0 =	sld [smem:$0x3FAE]  }
0x30: {  	s3 =	sld [smem:$0x3FB1]  }
0x31: {  	[smem:$0x3FBA] =	sst s10  }
0x32: {  	s10 =	sld [smem:$0x3FB8];
	_ =	sdelay $0x3  }
0x33: {  	p0 =	seq.s32 s10, $0x1;
	s10 =	sld [smem:$0x3FBA];
	_ =	sdelay $0x3  }
0x34: {  	[smem:$0x3FBA] =	sst s10  }
0x35: {  	s10 =	sld [smem:$0x3FB9];
	_ =	sdelay $0x3  }
0x36: {  	p1 =	seq.s32 s10, $0x1;
	s10 =	sld [smem:$0x3FBA];
	_ =	sdelay $0x3  }
0x37: {  	[smem:$0x3FBA] =	sst s10  }
0x38: {  	s10 =	sld [smem:$0x3FBB]  }
0x39: {  	_ = 	snop;
	(pc) =	sbr.ind lr, $3  }
0x3a: {  	_ = 	snop  }
0x3b: {  	_ = 	snop  }
0x3c: {  	p2 =	seq.s32 s10, $0x1;
	s10 =	sld [smem:$0x3FBA]  }
0x3d: {  	_ =	shalt  }
0x3e: {  	_ =	shalt  }
0x3f: {  	_ =	shalt  }
0x40: {  	_ =	shalt  }
0x41: {  	_ =	shalt  }
0x42: {  	_ =	shalt  }
0x43: {  	_ =	shalt  }
0x44: {  	_ =	shalt  }
0x45: {  	_ =	shalt  }
0x46: {  	_ =	shalt  }
0x47: {  	_ =	shalt  }
0x48: {  	_ =	shalt  }
0x49: {  	_ =	shalt  }
0x4a: {  	_ =	shalt  }
0x4b: {  	_ =	shalt  }
0x4c: {  	_ =	shalt  }
0x4d: {  	_ =	shalt  }
0x4e: {  	_ =	shalt  }
0x4f: {  	_ =	shalt  }
0x50: {  	_ =	shalt  }
0x51: {  	_ =	shalt  }
0x52: {  	_ =	shalt  }
0x53: {  	_ =	shalt  }
0x54: {  	_ =	shalt  }
0x55: {  	_ =	shalt  }
0x56: {  	_ =	shalt  }
0x57: {  	_ =	shalt  }
0x58: {  	_ =	shalt  }
0x59: {  	_ =	shalt  }
0x5a: {  	_ =	shalt  }
0x5b: {  	_ =	shalt  }
0x5c: {  	_ =	shalt  }
0x5d: {  	_ =	shalt  }
0x5e: {  	_ =	shalt  }
0x5f: {  	_ =	shalt  }
0x60: {  	_ =	shalt  }
0x61: {  	_ =	shalt  }
0x62: {  	_ =	shalt  }
0x63: {  	_ =	shalt  }
0x64: {  	_ =	shalt  }
0x65: {  	_ =	shalt  }
0x66: {  	_ =	shalt  }
0x67: {  	_ =	shalt  }
0x68: {  	_ =	shalt  }
0x69: {  	_ =	shalt  }
0x6a: {  	_ =	shalt  }
0x6b: {  	_ =	shalt  }
0x6c: {  	_ =	shalt  }
0x6d: {  	_ =	shalt  }
0x6e: {  	_ =	shalt  }
0x6f: {  	_ =	shalt  }
0x70: {  	_ =	shalt  }
0x71: {  	_ =	shalt  }
0x72: {  	_ =	shalt  }
0x73: {  	_ =	shalt  }
0x74: {  	_ =	shalt  }
0x75: {  	_ =	shalt  }
0x76: {  	_ =	shalt  }
0x77: {  	_ =	shalt  }
0x78: {  	_ =	shalt  }
0x79: {  	_ =	shalt  }
0x7a: {  	_ =	shalt  }
0x7b: {  	_ =	shalt  }
0x7c: {  	_ =	shalt  }
0x7d: {  	_ =	shalt  }
0x7e: {  	_ =	shalt  }
0x7f: {  	_ =	shalt  }
0x80: {  	_ =	shalt  }
0x81: {  	_ =	shalt  }
0x82: {  	_ =	shalt  }
0x83: {  	_ =	shalt  }
0x84: {  	_ =	shalt  }
0x85: {  	_ =	shalt  }
0x86: {  	_ =	shalt  }
0x87: {  	_ =	shalt  }
.Lfunc_end0:
.L_simem_size_0:
called_computation_lowered:
.L_overlay_start_0:
0x88: {  	s2 =	sld [smem:$0x3FD9]  }
0x89: {  	s3 =	sld [smem:$0x3FFE];
	_ =	sdelay $0x1  }
0x8a: {  	s1 =	srdreg.scid  }
0x8b: {  	s0 =	sand.u32 $0x1, s1  }
0x8c: {  	s17 =	sshll.u32 s0, $0xA;
	s2 =	sadd.s32 s3, s2  }
0x8d: {  	s2 =	sadd.s32 s2, s17  }
0x8e: {  	[smem:$0x3FC6] =	sst s2  }
0x8f: {  	_ = 	snop  }
0x90: {  	s2 =	sld [smem:$0x3FC8]  }
0x91: {  	s18 =	sld [smem:$0x3FD0];
	(tm) =	ssettm $0x1  }
0x92: {  	s4 =	sld [smem:$0x3FFB];
	_ =	sdelay $0x3  }
0x93: {  	_ =	strace s4  }
0x94: {  	s4 =	sld [smem:$0x3FFC];
	_ =	sdelay $0x3  }
0x95: {  	_ =	strace s4  }
0x96: {  	s4 =	sld [smem:$0x3FFD];
	_ =	sdelay $0x3  }
0x97: {  	_ =	strace s4  }
0x98: {  	_ =	strace $0x8FFFFFFF  }
0x99: {  	s19 =	sld [smem:$0x3FDB];
	_ =	sdelay $0x1  }
0x9a: {  	s5 =	simm.s32 $_scs_section_size  }
0x9b: {  	s6 =	simm.s32 $_size__tile_overlayer_lowered;
	s7 =	simm.s32 $_tile_overlayer_lowered  }
0x9c: {  	s22 =	simm.s32 $0x1BFF;
	s21 =	sshll.u32 s7, $0x1;
	s4 =	sadd.s32 s5, s19  }
0x9d: {  	s8 =	simm.s32 $0x0;
	s20 =	sshll.u32 s6, $0x1;
	s6 =	sadd.s32 s21, s4  }
0x9e: {  	[timem:s8], [sflag:s22] =	dma.local [hbm:s6], s20  }
0x9f: {  	_ =	swait.ge [sflag:s22], s20  }
0xa0: {  	s5 =	ssub.s32 $0x0, s20;
	[sflag:s22] =	ssyncset.done $0x0  }
0xa1: {  	[sflag:s22] =	ssyncadd.s32 s5;
	_ =	sdelay $0x1  }
0xa2: {  	s23 =	simm.s32 $0x1B8B  }
0xa3: {  	_ =	swait.ge [sflag:s23], $0x1  }
0xa4: {  	[sflag:s23] =	ssyncset.done $0x0  }
0xa5: {  	s25 =	simm.s32 $0x1B8E;
	s24 =	sld [smem:$0x3FFE];
	[sflag:s23] =	ssyncadd.s32 $0xFFFFFFFF  }
0xa6: {  	s26 =	simm.s32 $execute0_lowered;
	[smem:$0x3FD2] =	sst s25  }
0xa7: {  	s6 =	sshll.u32 s26, $0x1;
	_ =	strace $0x80000046;
	[dreg:$0x1] =	wrdreg $0xFFFFFFFF  }
0xa8: {  	s28 =	simm.s32 $_size_execute0_lowered;
	s4 =	sadd.s32 s4, s6;
	[dreg:$0x0] =	wrdreg $0x0  }
0xa9: {  	s6 =	sshll.u32 s28, $0x1;
	[dreg:$0x2] =	wrdreg s4  }
0xaa: {  	[dreg:$0x3] =	wrdreg s6  }
0xab: {  	[dreg:$0x4] =	wrdreg $0xC0  }
0xac: {  	_ =	task [dreg:s8], $0x5FFFF  }
0xad: {  	[dreg:$0x1] =	wrdreg $0xFFFFFFFF  }
0xae: {  	[dreg:$0x0] =	wrdreg $0x60  }
0xaf: {  	[dreg:$0x2] =	wrdreg s24  }
0xb0: {  	[dreg:$0x3] =	wrdreg s2  }
0xb1: {  	[dreg:$0x4] =	wrdreg s18  }
0xb2: {  	[dreg:$0x5] =	wrdreg $0x9  }
0xb3: {  	_ =	task.clear_ibuf [dreg:s8], $0x6FFFF;
	_ =	strace $0x90000046  }
0xb4: {  	s29 =	simm.s32 $0x9;
	_ =	strace $0x80000048  }
0xb5: {  	_ =	swait.ge [sflag:s29], $0x1  }
0xb6: {  	[sflag:s29] =	ssyncadd.s32 $0xFFFFFFFF  }
0xb7: {  	_ =	strace $0x90000048  }
0xb8: {  	_ =	sfence  }
0xb9: {  	s30 =	sld [smem:$0x0];
	_ =	sdelay $0x2  }
0xba: {  	s31 =	sshll.u32 s1, $0xD;
	s1 =	sshrl.u32 s1, $0x2  }
0xbb: {  	s3 =	sand.u32 $0x4000, s31;
	s1 =	sadd.s32 s1, s30  }
0xbc: {  	s0 =	sor.u32 s3, s0;
	s1 =	sshll.u32 s1, $0x11  }
0xbd: {  	s0 =	sor.u32 s1, s0  }
0xbe: {  	s0 =	sadd.s32 $0x8F2B, s0  }
0xbf: {  	[sflag:s0] =	ssyncadd.remote.s32 $0x1  }
0xc0: {  	_ =	sfence.sel $0xFFFF  }
0xc1: {  	[dreg:$0x0] =	wrdreg $0xFFFFFFFF;
	(pc) =	sbr.abs _section_cstart, $3  }
0xc2: {  	[dreg:$0x1] =	wrdreg $0xFFFFFFFF  }
0xc3: {  	_ =	task.clear_ibuf [dreg:s8], $0x2FFFF;
	_ =	strace $0x9FFFFFFF  }
0xc4: {  	(tm) =	ssettm $0x7FFFFFFF  }
0xc5: {  	_ =	shalt  }
tec
execute0_lowered:
.L_overlay_start_1:
0x0: {  	(tag) =	ssettag $0x1  }
0x1: {  	s0 =	rddreg [dreg:$0x0]  }
0x2: {  	s1 =	srdreg.scid;
	s2 =	rddreg [dreg:$0x1]  }
0x3: {  	s3 =	stileid.u32;
	s5 =	simm.s32 $0x0;
	s13 =	simm.s32 $0x100  }
0x4: {  	s10 =	simm.s32 $0x2;
	s12 =	simm.s32 $0x3;
	s19 =	simm.s32 $0xD900  }
0x5: {  	s20 =	simm.s32 $0xE100;
	s21 =	simm.s32 $0xE900;
	s22 =	simm.s32 $0xF100  }
0x6: {  	s23 =	simm.s32 $0xF900;
	s28 =	simm.s32 $0x11900;
	s29 =	simm.s32 $0x12100  }
0x7: {  	s30 =	simm.s32 $0x12900;
	s31 =	simm.s32 $0x13100;
	s11 =	simm.s32 $0x14900  }
0x8: {  	s6 =	simm.s32 $0x15100;
	s7 =	simm.s32 $0x15900;
	s15 =	simm.s32 $0x16100  }
0x9: {  	s16 =	simm.s32 $0x16900;
	s17 =	simm.s32 $0x17100;
	s18 =	simm.s32 $0x17900  }
0xa: {  	s1 =	sand.u32 $0x1, s1;
	s3 =	sshll.u32 s3, $0x9;
	[smem:$0x7FF] =	sst s5  }
0xb: {  	s8 =	sadd.s32 $0x100, s2;
	s4 =	sshll.u32 s1, $0x8;
	s1 =	ssub.s32 $0x2, s1  }
0xc: {  	s9 =	sadd.s32 $0x200, s2;
	s4 =	sor.u32 s4, s3;
	s24 =	sshrl.u32 s1, $0x1  }
0xd: {  	_ =	strace $0x80000047;
	s3 =	sshrl.u32 s4, $0x3;
	s1 =	ssub.s32 s1, s24  }
0xe: {  	s24 =	simm.s32 $0x10100;
	s0 =	sadd.s32 s3, s0;
	s26 =	smax.u32 s1, $0x1  }
0xf: {  	v2 =	vlaneseq.u32;
	s1 =	simm.s32 $0x13900;
	s25 =	sadd.s32 $0x400, s0;
	[dreg:$0x6] =	wrdreg s26  }
0x10: {  	vm0 =	vmmov $0xffff;
	v1 =	vshrl.u32 v2, $0x3;
	s0 =	sadd.s32 $0x410, s0;
	s26 =	simm.s32 $0x11100;
	[dreg:$0x4] =	wrdreg s25  }
0x11: {  	v0 =	vand.u32 $0x7, v2;
	v2 =	vor.u32 $0x8, v2;
	v1 =	vmul.u32 $0x8, v1;
	[dreg:$0x5] =	wrdreg s0;
	s0 =	simm.s32 $0x0;
	s25 =	simm.s32 $0x10900  }
.LBB2_1:
0x12: {  	[dreg:$0x7] =	wrdreg s0  }
0x13: {  	s3 =	rddreg [dreg:$0x4]  }
0x14: {  	[tilespmem:s5], [sflag:$0x1] =	stream.linear.gather [hbm4b:s3+s5], $0x80, $0x38;
	[tilespmem:$0x18100] =	vst v63  }
0x15: {  	s0 =	rddreg [dreg:$0x5];
	s14 =	simm.s32 $0x80  }
0x16: {  	[tilespmem:s14], [sflag:$0x1] =	stream.linear.gather [hbm4b:s0+s5], $0x80, $0x38;
	[tilespmem:$0x18100] =	vst v63  }
0x17: {  	s14 =	simm.s32 $0x1  }
0x18: {  	_ =	swait.ge [sflag:s14], $0x80  }
0x19: {  	[sflag:s14] =	ssyncset.done $0x0  }
0x1a: {  	[sflag:s14] =	ssyncadd.s32 $0xFFFFFF80  }
0x1b: {  	_ =	swait.ge [sflag:s14], $0x80  }
0x1c: {  	p0 =	por $0x1, $0x1;
	[sflag:s14] =	ssyncset.done $0x0  }
0x1d: {  	s3 =	simm.s32 $0x0;
	s0 =	simm.s32 $0x14100;
	[sflag:s14] =	ssyncadd.s32 $0xFFFFFF80  }
.LBB2_2:
0x1e: {  	v3 =	vld [tilespmem:s3+$0x0];
	_ =	sdelay $0x4  }
0x1f: {  	v4 =	vshrl.u32 v3, $0x3  }
0x20: {  	v4 =	vmul.u32 $0x30, v4  }
0x21: {  	v3 =	vand.u32 $0x7, v3  }
0x22: {  	v3 =	vor.u32 v3, v4  }
0x23: {  	v4 =	vperm.xlane v3, v0;
	_ =	sdelay $0x1  }
0x24: {  	v4 =	vadd.s32 v1, v4;
	_ =	sdelay $0x3  }
0x25: {  	v3 =	vperm.xlane v3, v2  }
0x26: {  	[tilespmem:s13], [sflag:$0x2] =	stream.indirect_vreg.gather [hbm4b:s2+s5], $0x80, v4, vm0, $0xb8;
	[tilespmem:$0x18100] =	vst v63  }
0x27: {  	s14 =	simm.s32 $0x900;
	v3 =	vadd.s32 v1, v3  }
0x28: {  	[tilespmem:s14], [sflag:$0x2] =	stream.indirect_vreg.gather [hbm4b:s8+s5], $0x80, v4, vm0, $0xb8;
	[tilespmem:$0x18100] =	vst v63  }
0x29: {  	s14 =	simm.s32 $0x1100  }
0x2a: {  	[tilespmem:s14], [sflag:$0x2] =	stream.indirect_vreg.gather [hbm4b:s9+s5], $0x80, v4, vm0, $0xb8;
	[tilespmem:$0x18100] =	vst v63  }
0x2b: {  	s14 =	simm.s32 $0x1900  }
0x2c: {  	[tilespmem:s14], [sflag:$0x2] =	stream.indirect_vreg.gather [hbm4b:s2+s5], $0x80, v3, vm0, $0xb8;
	[tilespmem:$0x18100] =	vst v63  }
0x2d: {  	s14 =	simm.s32 $0x2100  }
0x2e: {  	[tilespmem:s14], [sflag:$0x2] =	stream.indirect_vreg.gather [hbm4b:s8+s5], $0x80, v3, vm0, $0xb8;
	[tilespmem:$0x18100] =	vst v63  }
0x2f: {  	s14 =	simm.s32 $0x2900  }
0x30: {  	[tilespmem:s14], [sflag:$0x2] =	stream.indirect_vreg.gather [hbm4b:s9+s5], $0x80, v3, vm0, $0xb8;
	[tilespmem:$0x18100] =	vst v63  }
0x31: {  	v3 =	vld [tilespmem:s3+$0x10];
	_ =	sdelay $0x4  }
0x32: {  	v57 =	vshrl.u32 v3, $0x3  }
0x33: {  	v4 =	vmul.u32 $0x30, v57  }
0x34: {  	v3 =	vand.u32 $0x7, v3  }
0x35: {  	v3 =	vor.u32 v3, v4  }
0x36: {  	v4 =	vperm.xlane v3, v0;
	_ =	sdelay $0x1  }
0x37: {  	v4 =	vadd.s32 v1, v4;
	_ =	sdelay $0x3  }
0x38: {  	s14 =	simm.s32 $0x3100;
	v3 =	vperm.xlane v3, v2  }
0x39: {  	[tilespmem:s14], [sflag:$0x2] =	stream.indirect_vreg.gather [hbm4b:s2+s5], $0x80, v4, vm0, $0xb8;
	[tilespmem:$0x18100] =	vst v63  }
0x3a: {  	v3 =	vadd.s32 v1, v3;
	s14 =	simm.s32 $0x3900  }
0x3b: {  	[tilespmem:s14], [sflag:$0x2] =	stream.indirect_vreg.gather [hbm4b:s8+s5], $0x80, v4, vm0, $0xb8;
	[tilespmem:$0x18100] =	vst v63  }
0x3c: {  	s14 =	simm.s32 $0x4100  }
0x3d: {  	[tilespmem:s14], [sflag:$0x2] =	stream.indirect_vreg.gather [hbm4b:s9+s5], $0x80, v4, vm0, $0xb8;
	[tilespmem:$0x18100] =	vst v63  }
0x3e: {  	s14 =	simm.s32 $0x4900  }
0x3f: {  	[tilespmem:s14], [sflag:$0x2] =	stream.indirect_vreg.gather [hbm4b:s2+s5], $0x80, v3, vm0, $0xb8;
	[tilespmem:$0x18100] =	vst v63  }
0x40: {  	s14 =	simm.s32 $0x5100  }
0x41: {  	[tilespmem:s14], [sflag:$0x2] =	stream.indirect_vreg.gather [hbm4b:s8+s5], $0x80, v3, vm0, $0xb8;
	[tilespmem:$0x18100] =	vst v63  }
0x42: {  	s14 =	simm.s32 $0x5900  }
0x43: {  	[tilespmem:s14], [sflag:$0x2] =	stream.indirect_vreg.gather [hbm4b:s9+s5], $0x80, v3, vm0, $0xb8;
	[tilespmem:$0x18100] =	vst v63  }
0x44: {  	v3 =	vld [tilespmem:s3+$0x20];
	_ =	sdelay $0x4  }
0x45: {  	v58 =	vshrl.u32 v3, $0x3  }
0x46: {  	v4 =	vmul.u32 $0x30, v58  }
0x47: {  	v3 =	vand.u32 $0x7, v3  }
0x48: {  	v3 =	vor.u32 v3, v4  }
0x49: {  	v4 =	vperm.xlane v3, v0;
	_ =	sdelay $0x1  }
0x4a: {  	v4 =	vadd.s32 v1, v4;
	_ =	sdelay $0x3  }
0x4b: {  	s14 =	simm.s32 $0x6100;
	v3 =	vperm.xlane v3, v2  }
0x4c: {  	[tilespmem:s14], [sflag:$0x2] =	stream.indirect_vreg.gather [hbm4b:s2+s5], $0x80, v4, vm0, $0xb8;
	[tilespmem:$0x18100] =	vst v63  }
0x4d: {  	v3 =	vadd.s32 v1, v3;
	s14 =	simm.s32 $0x6900  }
0x4e: {  	[tilespmem:s14], [sflag:$0x2] =	stream.indirect_vreg.gather [hbm4b:s8+s5], $0x80, v4, vm0, $0xb8;
	[tilespmem:$0x18100] =	vst v63  }
0x4f: {  	s14 =	simm.s32 $0x7100  }
0x50: {  	[tilespmem:s14], [sflag:$0x2] =	stream.indirect_vreg.gather [hbm4b:s9+s5], $0x80, v4, vm0, $0xb8;
	[tilespmem:$0x18100] =	vst v63  }
0x51: {  	s14 =	simm.s32 $0x7900  }
0x52: {  	[tilespmem:s14], [sflag:$0x2] =	stream.indirect_vreg.gather [hbm4b:s2+s5], $0x80, v3, vm0, $0xb8;
	[tilespmem:$0x18100] =	vst v63  }
0x53: {  	s14 =	simm.s32 $0x8100  }
0x54: {  	[tilespmem:s14], [sflag:$0x2] =	stream.indirect_vreg.gather [hbm4b:s8+s5], $0x80, v3, vm0, $0xb8;
	[tilespmem:$0x18100] =	vst v63  }
0x55: {  	s14 =	simm.s32 $0x8900  }
0x56: {  	[tilespmem:s14], [sflag:$0x2] =	stream.indirect_vreg.gather [hbm4b:s9+s5], $0x80, v3, vm0, $0xb8;
	[tilespmem:$0x18100] =	vst v63  }
0x57: {  	v3 =	vld [tilespmem:s3+$0x30];
	_ =	sdelay $0x4  }
0x58: {  	v59 =	vshrl.u32 v3, $0x3  }
0x59: {  	v4 =	vmul.u32 $0x30, v59  }
0x5a: {  	v3 =	vand.u32 $0x7, v3  }
0x5b: {  	v3 =	vor.u32 v3, v4  }
0x5c: {  	v4 =	vperm.xlane v3, v0;
	_ =	sdelay $0x1  }
0x5d: {  	v4 =	vadd.s32 v1, v4;
	_ =	sdelay $0x3  }
0x5e: {  	s14 =	simm.s32 $0x9100;
	v3 =	vperm.xlane v3, v2  }
0x5f: {  	[tilespmem:s14], [sflag:$0x2] =	stream.indirect_vreg.gather [hbm4b:s2+s5], $0x80, v4, vm0, $0xb8;
	[tilespmem:$0x18100] =	vst v63  }
0x60: {  	v3 =	vadd.s32 v1, v3;
	s14 =	simm.s32 $0x9900  }
0x61: {  	[tilespmem:s14], [sflag:$0x2] =	stream.indirect_vreg.gather [hbm4b:s8+s5], $0x80, v4, vm0, $0xb8;
	[tilespmem:$0x18100] =	vst v63  }
0x62: {  	s14 =	simm.s32 $0xA100  }
0x63: {  	[tilespmem:s14], [sflag:$0x2] =	stream.indirect_vreg.gather [hbm4b:s9+s5], $0x80, v4, vm0, $0xb8;
	[tilespmem:$0x18100] =	vst v63  }
0x64: {  	s14 =	simm.s32 $0xA900  }
0x65: {  	[tilespmem:s14], [sflag:$0x2] =	stream.indirect_vreg.gather [hbm4b:s2+s5], $0x80, v3, vm0, $0xb8;
	[tilespmem:$0x18100] =	vst v63  }
0x66: {  	s14 =	simm.s32 $0xB100  }
0x67: {  	[tilespmem:s14], [sflag:$0x2] =	stream.indirect_vreg.gather [hbm4b:s8+s5], $0x80, v3, vm0, $0xb8;
	[tilespmem:$0x18100] =	vst v63  }
0x68: {  	s14 =	simm.s32 $0xB900  }
0x69: {  	[tilespmem:s14], [sflag:$0x2] =	stream.indirect_vreg.gather [hbm4b:s9+s5], $0x80, v3, vm0, $0xb8;
	[tilespmem:$0x18100] =	vst v63  }
0x6a: {  	v3 =	vld [tilespmem:s3+$0x40];
	_ =	sdelay $0x4  }
0x6b: {  	v60 =	vshrl.u32 v3, $0x3  }
0x6c: {  	v4 =	vmul.u32 $0x30, v60  }
0x6d: {  	v3 =	vand.u32 $0x7, v3  }
0x6e: {  	v3 =	vor.u32 v3, v4  }
0x6f: {  	v4 =	vperm.xlane v3, v0;
	_ =	sdelay $0x1  }
0x70: {  	v4 =	vadd.s32 v1, v4;
	_ =	sdelay $0x3  }
0x71: {  	s14 =	simm.s32 $0xC100;
	v3 =	vperm.xlane v3, v2  }
0x72: {  	[tilespmem:s14], [sflag:$0x2] =	stream.indirect_vreg.gather [hbm4b:s2+s5], $0x80, v4, vm0, $0xb8;
	[tilespmem:$0x18100] =	vst v63  }
0x73: {  	v3 =	vadd.s32 v1, v3;
	s14 =	simm.s32 $0xC900  }
0x74: {  	[tilespmem:s14], [sflag:$0x2] =	stream.indirect_vreg.gather [hbm4b:s8+s5], $0x80, v4, vm0, $0xb8;
	[tilespmem:$0x18100] =	vst v63  }
0x75: {  	s14 =	simm.s32 $0xD100  }
0x76: {  	[tilespmem:s14], [sflag:$0x2] =	stream.indirect_vreg.gather [hbm4b:s9+s5], $0x80, v4, vm0, $0xb8;
	[tilespmem:$0x18100] =	vst v63  }
0x77: {  	_ = 	snop  }
0x78: {  	[tilespmem:s19], [sflag:$0x2] =	stream.indirect_vreg.gather [hbm4b:s2+s5], $0x80, v3, vm0, $0xb8;
	[tilespmem:$0x18100] =	vst v63  }
0x79: {  	_ = 	snop  }
0x7a: {  	[tilespmem:s20], [sflag:$0x2] =	stream.indirect_vreg.gather [hbm4b:s8+s5], $0x80, v3, vm0, $0xb8;
	[tilespmem:$0x18100] =	vst v63  }
0x7b: {  	_ = 	snop  }
0x7c: {  	[tilespmem:s21], [sflag:$0x2] =	stream.indirect_vreg.gather [hbm4b:s9+s5], $0x80, v3, vm0, $0xb8;
	[tilespmem:$0x18100] =	vst v63  }
0x7d: {  	v3 =	vld [tilespmem:s3+$0x50];
	_ =	sdelay $0x4  }
0x7e: {  	v61 =	vshrl.u32 v3, $0x3  }
0x7f: {  	v4 =	vmul.u32 $0x30, v61  }
0x80: {  	v3 =	vand.u32 $0x7, v3  }
0x81: {  	v3 =	vor.u32 v3, v4  }
0x82: {  	v4 =	vperm.xlane v3, v0;
	_ =	sdelay $0x1  }
0x83: {  	v4 =	vadd.s32 v1, v4;
	_ =	sdelay $0x3  }
0x84: {  	v3 =	vperm.xlane v3, v2  }
0x85: {  	[tilespmem:s22], [sflag:$0x2] =	stream.indirect_vreg.gather [hbm4b:s2+s5], $0x80, v4, vm0, $0xb8;
	[tilespmem:$0x18100] =	vst v63  }
0x86: {  	v3 =	vadd.s32 v1, v3  }
0x87: {  	[tilespmem:s23], [sflag:$0x2] =	stream.indirect_vreg.gather [hbm4b:s8+s5], $0x80, v4, vm0, $0xb8;
	[tilespmem:$0x18100] =	vst v63  }
0x88: {  	_ = 	snop  }
0x89: {  	[tilespmem:s24], [sflag:$0x2] =	stream.indirect_vreg.gather [hbm4b:s9+s5], $0x80, v4, vm0, $0xb8;
	[tilespmem:$0x18100] =	vst v63  }
0x8a: {  	_ = 	snop  }
0x8b: {  	[tilespmem:s25], [sflag:$0x2] =	stream.indirect_vreg.gather [hbm4b:s2+s5], $0x80, v3, vm0, $0xb8;
	[tilespmem:$0x18100] =	vst v63  }
0x8c: {  	_ = 	snop  }
0x8d: {  	[tilespmem:s26], [sflag:$0x2] =	stream.indirect_vreg.gather [hbm4b:s8+s5], $0x80, v3, vm0, $0xb8;
	[tilespmem:$0x18100] =	vst v63  }
0x8e: {  	_ = 	snop  }
0x8f: {  	[tilespmem:s28], [sflag:$0x2] =	stream.indirect_vreg.gather [hbm4b:s9+s5], $0x80, v3, vm0, $0xb8;
	[tilespmem:$0x18100] =	vst v63  }
0x90: {  	v3 =	vld [tilespmem:s3+$0x60];
	_ =	sdelay $0x4  }
0x91: {  	v62 =	vshrl.u32 v3, $0x3  }
0x92: {  	v4 =	vmul.u32 $0x30, v62  }
0x93: {  	v3 =	vand.u32 $0x7, v3  }
0x94: {  	v3 =	vor.u32 v3, v4  }
0x95: {  	v4 =	vperm.xlane v3, v0;
	_ =	sdelay $0x1  }
0x96: {  	v4 =	vadd.s32 v1, v4;
	_ =	sdelay $0x3  }
0x97: {  	v3 =	vperm.xlane v3, v2  }
0x98: {  	[tilespmem:s29], [sflag:$0x2] =	stream.indirect_vreg.gather [hbm4b:s2+s5], $0x80, v4, vm0, $0xb8;
	[tilespmem:$0x18100] =	vst v63  }
0x99: {  	v3 =	vadd.s32 v1, v3  }
0x9a: {  	[tilespmem:s30], [sflag:$0x2] =	stream.indirect_vreg.gather [hbm4b:s8+s5], $0x80, v4, vm0, $0xb8;
	[tilespmem:$0x18100] =	vst v63  }
0x9b: {  	_ = 	snop  }
0x9c: {  	[tilespmem:s31], [sflag:$0x2] =	stream.indirect_vreg.gather [hbm4b:s9+s5], $0x80, v4, vm0, $0xb8;
	[tilespmem:$0x18100] =	vst v63  }
0x9d: {  	_ = 	snop  }
0x9e: {  	[tilespmem:s1], [sflag:$0x2] =	stream.indirect_vreg.gather [hbm4b:s2+s5], $0x80, v3, vm0, $0xb8;
	[tilespmem:$0x18100] =	vst v63  }
0x9f: {  	_ = 	snop  }
0xa0: {  	[tilespmem:s0], [sflag:$0x2] =	stream.indirect_vreg.gather [hbm4b:s8+s5], $0x80, v3, vm0, $0xb8;
	[tilespmem:$0x18100] =	vst v63  }
0xa1: {  	_ = 	snop  }
0xa2: {  	[tilespmem:s11], [sflag:$0x2] =	stream.indirect_vreg.gather [hbm4b:s9+s5], $0x80, v3, vm0, $0xb8;
	[tilespmem:$0x18100] =	vst v63  }
0xa3: {  	v3 =	vld [tilespmem:s3+$0x70];
	_ =	sdelay $0x4  }
0xa4: {  	v63 =	vshrl.u32 v3, $0x3  }
0xa5: {  	v4 =	vmul.u32 $0x30, v63  }
0xa6: {  	v3 =	vand.u32 $0x7, v3  }
0xa7: {  	v3 =	vor.u32 v3, v4  }
0xa8: {  	v4 =	vperm.xlane v3, v0;
	_ =	sdelay $0x1  }
0xa9: {  	v4 =	vadd.s32 v1, v4;
	_ =	sdelay $0x3  }
0xaa: {  	v3 =	vperm.xlane v3, v2  }
0xab: {  	[tilespmem:s6], [sflag:$0x2] =	stream.indirect_vreg.gather [hbm4b:s2+s5], $0x80, v4, vm0, $0xb8;
	[tilespmem:$0x18100] =	vst v63  }
0xac: {  	v3 =	vadd.s32 v1, v3  }
0xad: {  	[tilespmem:s7], [sflag:$0x2] =	stream.indirect_vreg.gather [hbm4b:s8+s5], $0x80, v4, vm0, $0xb8;
	[tilespmem:$0x18100] =	vst v63  }
0xae: {  	_ = 	snop  }
0xaf: {  	[tilespmem:s15], [sflag:$0x2] =	stream.indirect_vreg.gather [hbm4b:s9+s5], $0x80, v4, vm0, $0xb8;
	[tilespmem:$0x18100] =	vst v63  }
0xb0: {  	_ = 	snop  }
0xb1: {  	[tilespmem:s16], [sflag:$0x2] =	stream.indirect_vreg.gather [hbm4b:s2+s5], $0x80, v3, vm0, $0xb8;
	[tilespmem:$0x18100] =	vst v63  }
0xb2: {  	_ = 	snop  }
0xb3: {  	[tilespmem:s17], [sflag:$0x2] =	stream.indirect_vreg.gather [hbm4b:s8+s5], $0x80, v3, vm0, $0xb8;
	[tilespmem:$0x18100] =	vst v63  }
0xb4: {  	_ = 	snop  }
0xb5: {  	[tilespmem:s18], [sflag:$0x2] =	stream.indirect_vreg.gather [hbm4b:s9+s5], $0x80, v3, vm0, $0xb8;
	[tilespmem:$0x18100] =	vst v63  }
0xb6: {  	s14 =	sor.u32 s4, s3;
	_ =	swait.ge [sflag:s10], $0x18000  }
0xb7: {  	s3 =	sshrl.u32 s14, $0x3;
	[sflag:s10] =	ssyncset.done $0x0  }
0xb8: {  	s3 =	smul.u32 $0x300, s3;
	[sflag:s10] =	ssyncadd.s32 $0xFFFE8000  }
0xb9: {  	p1 =	por p0, p0;
	s14 =	rddreg [dreg:$0x2]  }
.Ltmp0:
0xba: {  	s3 =	sadd.s32 s14, s3;
	(pc) =	sbr.rel @p1 .LBB2_2-.Ltmp0, $4  }
0xbb: {  	[hbm4b:s3+s5] =	stream.linear.scatter [tilespmem:s13], [sflag:$0x3], $0x18000, $0x38;
	[tilespmem:$0x18100] =	vst v63  }
0xbc: {  	_ =	swait.ge [sflag:s12], $0x18000  }
0xbd: {  	[sflag:s12] =	ssyncset.done $0x0  }
0xbe: {  	p0 =	por $0x0, $0x0;
	s3 =	simm.s32 $0x80;
	[sflag:s12] =	ssyncadd.s32 $0xFFFE8000  }
0xbf: {  	s0 =	rddreg [dreg:$0x7]  }
0xc0: {  	s3 =	rddreg [dreg:$0x6];
	s0 =	sadd.s32 $0x1, s0  }
0xc1: {  	p0 =	sne.s32 s0, s3  }
.Ltmp1:
0xc2: {  	_ = 	snop;
	(pc) =	sbr.rel @p0 .LBB2_1-.Ltmp1, $1  }
0xc3: {  	_ =	sdelay $0x3  }
0xc4: {  	_ =	sfence.sel $0x180000  }
0xc5: {  	[bflag:$0x0] =	sbarrier.arrive $0xFFFF  }
0xc6: {  	_ =	strace $0x90000047  }
0xc7: {  	s0 =	stileid.u32;
	[bflag:$0x2] =	sbarrier.arrive $0xFFFF  }
0xc8: {  	p0 =	sne.s32 s0, $0x0;
	s0 =	rddreg [dreg:$0x3]  }
0xc9: {  	s0 =	sadd.s32 @!p0 $0x100000, s0  }
0xca: {  	[sflag:s0] =	ssyncadd.tile.s32 @!p0 $0x1;
	_ =	shalt  }
.Lfunc_end2:
_tile_overlayer_lowered:
.L_overlay_start_2:
0xcb: {  	(tag) =	ssettag $0x2  }
0xcc: {  	s0 =	rddreg [dreg:$0x0];
	s2 =	stileid.u32  }
0xcd: {  	s1 =	rddreg [dreg:$0x1];
	p0 =	sne.s32 s2, $0x0  }
0xce: {  	s3 =	rddreg [dreg:$0x2];
	[bflag:$0x3] =	sbarrier.arrive $0xFFFF;
	s2 =	simm.s32 @!p0 $0x1C03  }
0xcf: {  	[timem:s3], [sflag:s2] =	dma.local @!p0 [hbm:s0], s1  }
0xd0: {  	s0 =	simm.s32 @!p0 $0x3  }
0xd1: {  	_ =	swait.ge @!p0 [sflag:s0], s1  }
0xd2: {  	s1 =	ssub.s32 @!p0 $0x0, s1;
	[sflag:s0] =	ssyncset.done @!p0 $0x0  }
0xd3: {  	[sflag:s0] =	ssyncadd.s32 @!p0 s1  }
0xd4: {  	[bflag:$0x3] =	sbarrier.arrive $0xFFFF  }
0xd5: {  	_ =	shalt  }

</sc_bundles>
